<compile_context>
chip_gen: v7x
topology: tpu7x:2x2x1
jax: 0.10.2.dev20260603
libtpu: 0.0.44.dev20260713+nightly
codegen_flags: <defaults>
</compile_context>

<pallas_src>
import functools
import math

import jax
import jax.numpy as jnp
from jax import lax
from jax.experimental import pallas as pl
from jax.experimental.pallas import tpu as pltpu
from jax.experimental.pallas import tpu_sc as plsc

B, S, H, SKV, G, D, T, K = 32, 1, 16, 8192, 1, 128, 64, 1024
DT = D + T


def _sc_counts(idx_flat):
    info = plsc.get_sparse_core_info()
    nc = info.num_cores

    mesh = plsc.VectorSubcoreMesh(core_axis_name="c", subcore_axis_name="s")

    @functools.partial(
        pl.kernel,
        mesh=mesh,
        compiler_params=pltpu.CompilerParams(needs_layout_passes=False),
        out_type=jax.ShapeDtypeStruct((B, 1, SKV), jnp.float32),
        scratch_types=[
            pltpu.VMEM((K,), jnp.int32),
            pltpu.VMEM((SKV,), jnp.float32),
        ],
    )
    def counts_kernel(idx_hbm, out_hbm, idx_v, cnt_v):
        wid = lax.axis_index("s") * nc + lax.axis_index("c")
        pltpu.sync_copy(idx_hbm.at[pl.ds(wid * K, K)], idx_v)

        zeros = jnp.zeros((16,), jnp.float32)

        def zero_body(i, _):
            for u in range(8):
                cnt_v[pl.ds(i * 128 + u * 16, 16)] = zeros
            return 0

        lax.fori_loop(0, SKV // 128, zero_body, 0)

        ones = jnp.ones((16,), jnp.float32)

        def acc_body(i, _):
            for u in range(4):
                idx16 = idx_v[pl.ds(i * 64 + u * 16, 16)]
                plsc.addupdate_scatter(cnt_v, [idx16], ones)
            return 0

        lax.fori_loop(0, K // 64, acc_body, 0)

        pltpu.sync_copy(cnt_v, out_hbm.at[wid, 0])

    return counts_kernel(idx_flat)


BPB = 2


def _attn_body(q_ref, kvt_ref, cnt_ref, o_ref):
    sm_scale = 1.0 / math.sqrt(DT)
    for i in range(BPB):
        qb = q_ref[i]
        kvt = kvt_ref[i]
        c = cnt_ref[i]
        logits = lax.dot_general(
            qb, kvt, (((1,), (0,)), ((), ())),
            preferred_element_type=jnp.float32) * sm_scale
        bias = jnp.where(c > 0.0, jnp.log(c), -jnp.inf)
        logits = logits + bias
        m = jnp.max(logits, axis=1, keepdims=True)
        p = jnp.exp(logits - m)
        s = jnp.sum(p, axis=1, keepdims=True)
        o = lax.dot_general(
            p, kvt[:D, :], (((1,), (1,)), ((), ())),
            preferred_element_type=jnp.float32)
        o_ref[i] = o / s


def kernel(q, kv, indices):
    idx_flat = indices.reshape(B * K)
    counts = _sc_counts(idx_flat)

    kvt = jnp.transpose(kv, (0, 3, 2, 1)).reshape(B, DT, SKV)

    out = pl.pallas_call(
        _attn_body,
        grid=(B // BPB,),
        in_specs=[
            pl.BlockSpec((BPB, H, DT), lambda b: (b, 0, 0)),
            pl.BlockSpec((BPB, DT, SKV), lambda b: (b, 0, 0)),
            pl.BlockSpec((BPB, 1, SKV), lambda b: (b, 0, 0)),
        ],
        out_specs=pl.BlockSpec((BPB, H, D), lambda b: (b, 0, 0)),
        out_shape=jax.ShapeDtypeStruct((B, H, D), jnp.float32),
        compiler_params=pltpu.CompilerParams(
            vmem_limit_bytes=100 * 1024 * 1024),
    )(q.reshape(B, H, DT), kvt, counts)
    return out.reshape(B, S, H, D)

# --- scband reference (transcript-rebuilt; emitter-appended) ---
"""Pipeline reference for scband-deep-seek-sparse-attention-decode-layer-48086453846354 (READ-ONLY COPY).

The authoritative reference and input builder live on the scoring server;
editing this copy changes nothing except your own understanding.
"""

import jax, jax.numpy as jnp
import numpy as np

B, S, H, SKV, G, D, T, K = 32, 1, 16, 8192, 1, 128, 64, 1024
KV_STRIDE = 1
Q_START = 8191


def setup_inputs(seed: int = 0) -> dict:
    key = jax.random.key(seed)
    k1, k2, k3 = jax.random.split(key, 3)
    q = jax.random.normal(k1, (B, S, H, D + T), dtype=jnp.float32)
    kv = jax.random.normal(k2, (B, SKV, G, D + T), dtype=jnp.float32)
    indices = jax.random.randint(k3, (B, S, G, K), 0, SKV, dtype=jnp.int32)
    return {"q": q, "kv": kv, "indices": indices}


def reference(q, kv, indices):
    sm_scale = 1.0 / np.sqrt(D + T)
    hpg = H // G
    b_idx = jnp.arange(B)[:, None, None, None]
    g_idx = jnp.arange(G)[None, None, :, None]
    # gather top-k kv entries per (batch, query, group): [B, S, G, K, D+T]
    gath = kv[b_idx, indices, g_idx]
    qr = q.reshape(B, S, G, hpg, D + T)
    logits = jnp.einsum('bsghd,bsgkd->bsghk', qr, gath) * sm_scale
    # causal validity: selected kv position must not exceed absolute query position
    q_pos = Q_START + jnp.arange(S)
    valid = (indices >= 0) & ((indices * KV_STRIDE) <= q_pos[None, :, None, None])
    logits = jnp.where(valid[:, :, :, None, :], logits, -jnp.inf)
    probs = jax.nn.softmax(logits, axis=-1)
    # value is the first D dims of the latent kv
    out = jnp.einsum('bsghk,bsgkd->bsghd', probs, gath[..., :D])
    return out.reshape(B, S, H, D)

if __name__ == "__main__":
    import jax
    _d = setup_inputs()
    print(jax.jit(kernel)(*tuple(_d.values())))

</pallas_src>

<mosaic_0001>
#map = affine_map<(d0, d1) -> (0)>
#map1 = affine_map<(d0, d1) -> (0, 0, 0)>
module attributes {stable_mosaic.version = 14 : i64} {
  func.func @counts_kernel(%arg0: i32, %arg1: i32, %arg2: memref<32768xi32, #tpu.memory_space<hbm>>, %arg3: memref<32x1x8192xf32, #tpu.memory_space<hbm>>, %arg4: memref<1024xi32, #tpu.memory_space<vmem>>, %arg5: memref<8192xf32, #tpu.memory_space<vmem>>) attributes {dimension_semantics = [#tpu.dimension_semantics<core_parallel>, #tpu.dimension_semantics<subcore_parallel>], iteration_bounds = array<i64: 2, 16>, scalar_prefetch = 0 : i64, scratch_operands = 2 : i64, tpu.core_type = #tpu.core_type<sc_vector_subcore>, window_params = [{transform_indices = #map}, {transform_indices = #map1}]} {
    %mul3A = arith.constant 2 : i32
    %mul3A_0 = arith.muli %arg1, %mul3A : i32
    %add3A = arith.addi %mul3A_0, %arg0 : i32
    %mul3A_1 = arith.constant 1024 : i32
    %mul3A_2 = arith.muli %add3A, %mul3A_1 : i32
    "tpu.region"() ({
      %run_scoped3A_19 = tpu.sem_alloc : memref<!tpu.dma_semaphore, #tpu.memory_space<semaphore_mem>>
      %dma_start3A = tpu.memref_slice %arg2[%mul3A_2] : memref<32768xi32, #tpu.memory_space<hbm>> -> memref<1024xi32, #tpu.memory_space<hbm>>
      %dma_start3A_20 = tpu.memref_slice %arg2[%mul3A_2] : memref<32768xi32, #tpu.memory_space<hbm>> -> memref<1024xi32, #tpu.memory_space<hbm>>
      tpu.enqueue_dma source(%dma_start3A_20 : memref<1024xi32, #tpu.memory_space<hbm>>) target(%arg4 : memref<1024xi32, #tpu.memory_space<vmem>>) target_semaphore(%run_scoped3A_19 : memref<!tpu.dma_semaphore, #tpu.memory_space<semaphore_mem>>)
      %dma_wait3A = tpu.memref_slice %arg2[%mul3A_2] : memref<32768xi32, #tpu.memory_space<hbm>> -> memref<1024xi32, #tpu.memory_space<hbm>>
      %dma_wait3A_21 = tpu.memref_slice %arg2[%mul3A_2] : memref<32768xi32, #tpu.memory_space<hbm>> -> memref<1024xi32, #tpu.memory_space<hbm>>
      tpu.wait_dma2 semaphore(%run_scoped3A_19 : memref<!tpu.dma_semaphore, #tpu.memory_space<semaphore_mem>>) src(%dma_wait3A_21 : memref<1024xi32, #tpu.memory_space<hbm>>) dst(%arg4 : memref<1024xi32, #tpu.memory_space<vmem>>)
      tpu.yield
    }) : () -> ()
    %broadcast_in_dim3A = arith.constant 0.000000e+00 : f32
    %broadcast_in_dim3A_3 = vector.broadcast %broadcast_in_dim3A : f32 to vector<16xf32>
    %scan3A = arith.constant 0 : i32
    %scan3A_4 = arith.constant 0 : i32
    %scan3A_5 = arith.constant 64 : i32
    %scan3A_6 = arith.addi %scan3A_4, %scan3A_5 : i32
    %scan3A_7 = arith.constant 1 : i32
    %scan3A_8 = scf.for %scan3A_19 = %scan3A_4 to %scan3A_6 step %scan3A_7 iter_args(%scan3A_20 = %scan3A) -> (i32)  : i32 {
      %mul3A_21 = arith.constant 128 : i32
      %mul3A_22 = arith.muli %scan3A_19, %mul3A_21 : i32
      %add3A_23 = arith.constant 0 : i32
      %add3A_24 = arith.addi %mul3A_22, %add3A_23 : i32
      %swap3A = arith.index_cast %add3A_24 : i32 to index
      %swap3A_25 = tpu.vector_load %arg5[%swap3A] {strides = array<i32>} : memref<8192xf32, #tpu.memory_space<vmem>>, vector<16xf32>,
      tpu.vector_store %arg5[%swap3A], %broadcast_in_dim3A_3 {strides = array<i32>} : memref<8192xf32, #tpu.memory_space<vmem>>, vector<16xf32>,
      %mul3A_26 = arith.constant 128 : i32
      %mul3A_27 = arith.muli %scan3A_19, %mul3A_26 : i32
      %add3A_28 = arith.constant 16 : i32
      %add3A_29 = arith.addi %mul3A_27, %add3A_28 : i32
      %swap3A_30 = arith.index_cast %add3A_29 : i32 to index
      %swap3A_31 = tpu.vector_load %arg5[%swap3A_30] {strides = array<i32>} : memref<8192xf32, #tpu.memory_space<vmem>>, vector<16xf32>,
      tpu.vector_store %arg5[%swap3A_30], %broadcast_in_dim3A_3 {strides = array<i32>} : memref<8192xf32, #tpu.memory_space<vmem>>, vector<16xf32>,
      %mul3A_32 = arith.constant 128 : i32
      %mul3A_33 = arith.muli %scan3A_19, %mul3A_32 : i32
      %add3A_34 = arith.constant 32 : i32
      %add3A_35 = arith.addi %mul3A_33, %add3A_34 : i32
      %swap3A_36 = arith.index_cast %add3A_35 : i32 to index
      %swap3A_37 = tpu.vector_load %arg5[%swap3A_36] {strides = array<i32>} : memref<8192xf32, #tpu.memory_space<vmem>>, vector<16xf32>,
      tpu.vector_store %arg5[%swap3A_36], %broadcast_in_dim3A_3 {strides = array<i32>} : memref<8192xf32, #tpu.memory_space<vmem>>, vector<16xf32>,
      %mul3A_38 = arith.constant 128 : i32
      %mul3A_39 = arith.muli %scan3A_19, %mul3A_38 : i32
      %add3A_40 = arith.constant 48 : i32
      %add3A_41 = arith.addi %mul3A_39, %add3A_40 : i32
      %swap3A_42 = arith.index_cast %add3A_41 : i32 to index
      %swap3A_43 = tpu.vector_load %arg5[%swap3A_42] {strides = array<i32>} : memref<8192xf32, #tpu.memory_space<vmem>>, vector<16xf32>,
      tpu.vector_store %arg5[%swap3A_42], %broadcast_in_dim3A_3 {strides = array<i32>} : memref<8192xf32, #tpu.memory_space<vmem>>, vector<16xf32>,
      %mul3A_44 = arith.constant 128 : i32
      %mul3A_45 = arith.muli %scan3A_19, %mul3A_44 : i32
      %add3A_46 = arith.constant 64 : i32
      %add3A_47 = arith.addi %mul3A_45, %add3A_46 : i32
      %swap3A_48 = arith.index_cast %add3A_47 : i32 to index
      %swap3A_49 = tpu.vector_load %arg5[%swap3A_48] {strides = array<i32>} : memref<8192xf32, #tpu.memory_space<vmem>>, vector<16xf32>,
      tpu.vector_store %arg5[%swap3A_48], %broadcast_in_dim3A_3 {strides = array<i32>} : memref<8192xf32, #tpu.memory_space<vmem>>, vector<16xf32>,
      %mul3A_50 = arith.constant 128 : i32
      %mul3A_51 = arith.muli %scan3A_19, %mul3A_50 : i32
      %add3A_52 = arith.constant 80 : i32
      %add3A_53 = arith.addi %mul3A_51, %add3A_52 : i32
      %swap3A_54 = arith.index_cast %add3A_53 : i32 to index
      %swap3A_55 = tpu.vector_load %arg5[%swap3A_54] {strides = array<i32>} : memref<8192xf32, #tpu.memory_space<vmem>>, vector<16xf32>,
      tpu.vector_store %arg5[%swap3A_54], %broadcast_in_dim3A_3 {strides = array<i32>} : memref<8192xf32, #tpu.memory_space<vmem>>, vector<16xf32>,
      %mul3A_56 = arith.constant 128 : i32
      %mul3A_57 = arith.muli %scan3A_19, %mul3A_56 : i32
      %add3A_58 = arith.constant 96 : i32
      %add3A_59 = arith.addi %mul3A_57, %add3A_58 : i32
      %swap3A_60 = arith.index_cast %add3A_59 : i32 to index
      %swap3A_61 = tpu.vector_load %arg5[%swap3A_60] {strides = array<i32>} : memref<8192xf32, #tpu.memory_space<vmem>>, vector<16xf32>,
      tpu.vector_store %arg5[%swap3A_60], %broadcast_in_dim3A_3 {strides = array<i32>} : memref<8192xf32, #tpu.memory_space<vmem>>, vector<16xf32>,
      %mul3A_62 = arith.constant 128 : i32
      %mul3A_63 = arith.muli %scan3A_19, %mul3A_62 : i32
      %add3A_64 = arith.constant 112 : i32
      %add3A_65 = arith.addi %mul3A_63, %add3A_64 : i32
      %swap3A_66 = arith.index_cast %add3A_65 : i32 to index
      %swap3A_67 = tpu.vector_load %arg5[%swap3A_66] {strides = array<i32>} : memref<8192xf32, #tpu.memory_space<vmem>>, vector<16xf32>,
      tpu.vector_store %arg5[%swap3A_66], %broadcast_in_dim3A_3 {strides = array<i32>} : memref<8192xf32, #tpu.memory_space<vmem>>, vector<16xf32>,
      %scan3A_68 = arith.constant 0 : i32
      scf.yield %scan3A_68 : i32
    }
    %scan3A_9 = arith.constant 64 : i32
    %broadcast_in_dim3A_10 = arith.constant 1.000000e+00 : f32
    %broadcast_in_dim3A_11 = vector.broadcast %broadcast_in_dim3A_10 : f32 to vector<16xf32>
    %scan3A_12 = arith.constant 0 : i32
    %scan3A_13 = arith.constant 0 : i32
    %scan3A_14 = arith.constant 16 : i32
    %scan3A_15 = arith.addi %scan3A_13, %scan3A_14 : i32
    %scan3A_16 = arith.constant 1 : i32
    %scan3A_17 = scf.for %scan3A_19 = %scan3A_13 to %scan3A_15 step %scan3A_16 iter_args(%scan3A_20 = %scan3A_12) -> (i32)  : i32 {
      %mul3A_21 = arith.constant 64 : i32
      %mul3A_22 = arith.muli %scan3A_19, %mul3A_21 : i32
      %add3A_23 = arith.constant 0 : i32
      %add3A_24 = arith.addi %mul3A_22, %add3A_23 : i32
      %get3A = arith.index_cast %add3A_24 : i32 to index
      %get3A_25 = tpu.vector_load %arg4[%get3A] {strides = array<i32>} : memref<1024xi32, #tpu.memory_space<vmem>>, vector<16xi32>,
      tpu.vector_store_idx %arg5[%get3A_25], %broadcast_in_dim3A_11 {add = true} : memref<8192xf32, #tpu.memory_space<vmem>>[vector<16xi32>], vector<16xf32>,
      %mul3A_26 = arith.constant 64 : i32
      %mul3A_27 = arith.muli %scan3A_19, %mul3A_26 : i32
      %add3A_28 = arith.constant 16 : i32
      %add3A_29 = arith.addi %mul3A_27, %add3A_28 : i32
      %get3A_30 = arith.index_cast %add3A_29 : i32 to index
      %get3A_31 = tpu.vector_load %arg4[%get3A_30] {strides = array<i32>} : memref<1024xi32, #tpu.memory_space<vmem>>, vector<16xi32>,
      tpu.vector_store_idx %arg5[%get3A_31], %broadcast_in_dim3A_11 {add = true} : memref<8192xf32, #tpu.memory_space<vmem>>[vector<16xi32>], vector<16xf32>,
      %mul3A_32 = arith.constant 64 : i32
      %mul3A_33 = arith.muli %scan3A_19, %mul3A_32 : i32
      %add3A_34 = arith.constant 32 : i32
      %add3A_35 = arith.addi %mul3A_33, %add3A_34 : i32
      %get3A_36 = arith.index_cast %add3A_35 : i32 to index
      %get3A_37 = tpu.vector_load %arg4[%get3A_36] {strides = array<i32>} : memref<1024xi32, #tpu.memory_space<vmem>>, vector<16xi32>,
      tpu.vector_store_idx %arg5[%get3A_37], %broadcast_in_dim3A_11 {add = true} : memref<8192xf32, #tpu.memory_space<vmem>>[vector<16xi32>], vector<16xf32>,
      %mul3A_38 = arith.constant 64 : i32
      %mul3A_39 = arith.muli %scan3A_19, %mul3A_38 : i32
      %add3A_40 = arith.constant 48 : i32
      %add3A_41 = arith.addi %mul3A_39, %add3A_40 : i32
      %get3A_42 = arith.index_cast %add3A_41 : i32 to index
      %get3A_43 = tpu.vector_load %arg4[%get3A_42] {strides = array<i32>} : memref<1024xi32, #tpu.memory_space<vmem>>, vector<16xi32>,
      tpu.vector_store_idx %arg5[%get3A_43], %broadcast_in_dim3A_11 {add = true} : memref<8192xf32, #tpu.memory_space<vmem>>[vector<16xi32>], vector<16xf32>,
      %scan3A_44 = arith.constant 0 : i32
      scf.yield %scan3A_44 : i32
    }
    %scan3A_18 = arith.constant 16 : i32
    %run_scoped3A = arith.constant 0 : i32
    "tpu.region"() ({
      %run_scoped3A_19 = tpu.sem_alloc : memref<!tpu.dma_semaphore, #tpu.memory_space<semaphore_mem>>
      %dma_start3A = arith.constant 0 : i32
      %dma_start3A_20 = tpu.memref_slice %arg3[%add3A, %run_scoped3A, %dma_start3A] : memref<32x1x8192xf32, #tpu.memory_space<hbm>> -> memref<1x1x8192xf32, #tpu.memory_space<hbm>>
      %dma_start3A_21 = tpu.memref_squeeze %dma_start3A_20 : memref<1x1x8192xf32, #tpu.memory_space<hbm>> -> memref<8192xf32, #tpu.memory_space<hbm>>
      %dma_start3A_22 = arith.constant 0 : i32
      %dma_start3A_23 = tpu.memref_slice %arg3[%add3A, %run_scoped3A, %dma_start3A_22] : memref<32x1x8192xf32, #tpu.memory_space<hbm>> -> memref<1x1x8192xf32, #tpu.memory_space<hbm>>
      %dma_start3A_24 = tpu.memref_squeeze %dma_start3A_23 : memref<1x1x8192xf32, #tpu.memory_space<hbm>> -> memref<8192xf32, #tpu.memory_space<hbm>>
      tpu.enqueue_dma source(%arg5 : memref<8192xf32, #tpu.memory_space<vmem>>) target(%dma_start3A_24 : memref<8192xf32, #tpu.memory_space<hbm>>) target_semaphore(%run_scoped3A_19 : memref<!tpu.dma_semaphore, #tpu.memory_space<semaphore_mem>>)
      %dma_wait3A = arith.constant 0 : i32
      %dma_wait3A_25 = tpu.memref_slice %arg3[%add3A, %run_scoped3A, %dma_wait3A] : memref<32x1x8192xf32, #tpu.memory_space<hbm>> -> memref<1x1x8192xf32, #tpu.memory_space<hbm>>
      %dma_wait3A_26 = tpu.memref_squeeze %dma_wait3A_25 : memref<1x1x8192xf32, #tpu.memory_space<hbm>> -> memref<8192xf32, #tpu.memory_space<hbm>>
      %dma_wait3A_27 = arith.constant 0 : i32
      %dma_wait3A_28 = tpu.memref_slice %arg3[%add3A, %run_scoped3A, %dma_wait3A_27] : memref<32x1x8192xf32, #tpu.memory_space<hbm>> -> memref<1x1x8192xf32, #tpu.memory_space<hbm>>
      %dma_wait3A_29 = tpu.memref_squeeze %dma_wait3A_28 : memref<1x1x8192xf32, #tpu.memory_space<hbm>> -> memref<8192xf32, #tpu.memory_space<hbm>>
      tpu.wait_dma2 semaphore(%run_scoped3A_19 : memref<!tpu.dma_semaphore, #tpu.memory_space<semaphore_mem>>) src(%arg5 : memref<8192xf32, #tpu.memory_space<vmem>>) dst(%dma_wait3A_29 : memref<8192xf32, #tpu.memory_space<hbm>>)
      tpu.yield
    }) : () -> ()
    return
  }
}

module attributes {stable_mosaic.version = 14 : i64} {
  func.func @_attn_body(%arg0: i32, %arg1: memref<2x16x192xf32, #tpu.memory_space<vmem>>, %arg2: memref<2x192x8192xf32, #tpu.memory_space<vmem>>, %arg3: memref<2x1x8192xf32, #tpu.memory_space<vmem>>, %arg4: memref<2x16x128xf32, #tpu.memory_space<vmem>>) attributes {dimension_semantics = [#tpu.dimension_semantics<arbitrary>], iteration_bounds = array<i64: 16>, scalar_prefetch = 0 : i64, scratch_operands = 0 : i64, tpu.core_type = #tpu.core_type<tc>, window_params = [{transform_indices = @transform_0, window_bounds = array<i64: 2, 16, 192>}, {transform_indices = @transform_1, window_bounds = array<i64: 2, 192, 8192>}, {transform_indices = @transform_2, window_bounds = array<i64: 2, 1, 8192>}, {transform_indices = @transform_3, window_bounds = array<i64: 2, 16, 128>}]} {
    %get3A = arith.constant 0 : index
    %get3A_0 = arith.constant 0 : index
    %get3A_1 = arith.constant 0 : index
    %get3A_2 = vector.load %arg1[%get3A, %get3A_0, %get3A_1] : memref<2x16x192xf32, #tpu.memory_space<vmem>>, vector<1x16x192xf32>
    %get3A_3 = vector.shape_cast %get3A_2 : vector<1x16x192xf32> to vector<16x192xf32>
    %get3A_4 = arith.constant 0 : index
    %get3A_5 = arith.constant 0 : index
    %get3A_6 = arith.constant 0 : index
    %get3A_7 = vector.load %arg2[%get3A_4, %get3A_5, %get3A_6] : memref<2x192x8192xf32, #tpu.memory_space<vmem>>, vector<1x192x8192xf32>
    %get3A_8 = vector.shape_cast %get3A_7 : vector<1x192x8192xf32> to vector<192x8192xf32>
    %get3A_9 = arith.constant 0 : index
    %get3A_10 = arith.constant 0 : index
    %get3A_11 = arith.constant 0 : index
    %get3A_12 = vector.load %arg3[%get3A_9, %get3A_10, %get3A_11] : memref<2x1x8192xf32, #tpu.memory_space<vmem>>, vector<1x1x8192xf32>
    %get3A_13 = vector.shape_cast %get3A_12 : vector<1x1x8192xf32> to vector<1x8192xf32>
    %dot_general3A = arith.constant dense<0.000000e+00> : vector<16x8192xf32>
    %dot_general3A_14 = tpu.matmul %get3A_3, %get3A_8, %dot_general3A {dimension_numbers = #tpu.dot_dimension_numbers<[1], [0], [0], [1], [0, 0, 1, 1], [], []>, transpose_lhs_hint = false} : vector<16x192xf32>, vector<192x8192xf32>, vector<16x8192xf32> -> vector<16x8192xf32>
    %mul3A = arith.constant 0.0721687824 : f32
    %mul3A_15 = vector.broadcast %mul3A : f32 to vector<16x8192xf32>
    %mul3A_16 = arith.mulf %dot_general3A_14, %mul3A_15 : vector<16x8192xf32>
    %gt3A = arith.constant 0.000000e+00 : f32
    %gt3A_17 = vector.broadcast %gt3A : f32 to vector<1x8192xf32>
    %gt3A_18 = arith.cmpf ogt, %get3A_13, %gt3A_17 : vector<1x8192xf32>
    %log3A = math.log %get3A_13 : vector<1x8192xf32>
    %jit3A = arith.constant 0xFF800000 : f32
    %broadcast_in_dim3A = vector.broadcast %jit3A : f32 to vector<1x8192xf32>
    %select_n3A = arith.select %gt3A_18, %log3A, %broadcast_in_dim3A : vector<1x8192xi1>, vector<1x8192xf32>
    %add3A = vector.broadcast %select_n3A : vector<1x8192xf32> to vector<16x8192xf32>
    %add3A_19 = arith.addf %mul3A_16, %add3A : vector<16x8192xf32>
    %reduce_max3A = arith.constant dense<0xFF800000> : vector<16xf32>
    %reduce_max3A_20 = vector.multi_reduction <maximumf>, %add3A_19, %reduce_max3A [1] : vector<16x8192xf32> to vector<16xf32>
    %broadcast_in_dim3A_21 = vector.shape_cast %reduce_max3A_20 : vector<16xf32> to vector<16x1xf32>
    %sub3A = vector.broadcast %broadcast_in_dim3A_21 : vector<16x1xf32> to vector<16x8192xf32>
    %sub3A_22 = arith.subf %add3A_19, %sub3A : vector<16x8192xf32>
    %exp3A = math.exp %sub3A_22 : vector<16x8192xf32>
    %reduce_sum3A = arith.constant dense<0.000000e+00> : vector<16xf32>
    %reduce_sum3A_23 = vector.multi_reduction <add>, %exp3A, %reduce_sum3A [1] : vector<16x8192xf32> to vector<16xf32>
    %broadcast_in_dim3A_24 = vector.shape_cast %reduce_sum3A_23 : vector<16xf32> to vector<16x1xf32>
    %slice3A = vector.extract_strided_slice %get3A_8 {offsets = [0, 0], sizes = [128, 8192], strides = [1, 1]} : vector<192x8192xf32> to vector<128x8192xf32>
    %dot_general3A_25 = arith.constant dense<0.000000e+00> : vector<16x128xf32>
    %dot_general3A_26 = tpu.matmul %exp3A, %slice3A, %dot_general3A_25 {dimension_numbers = #tpu.dot_dimension_numbers<[1], [1], [0], [0], [0, 0, 1, 0], [], []>, transpose_lhs_hint = false} : vector<16x8192xf32>, vector<128x8192xf32>, vector<16x128xf32> -> vector<16x128xf32>
    %div3A = vector.broadcast %broadcast_in_dim3A_24 : vector<16x1xf32> to vector<16x128xf32>
    %div3A_27 = arith.divf %dot_general3A_26, %div3A : vector<16x128xf32>
    %swap3A = arith.constant 0 : index
    %swap3A_28 = arith.constant 0 : index
    %swap3A_29 = arith.constant 0 : index
    %swap3A_30 = vector.load %arg4[%swap3A, %swap3A_28, %swap3A_29] : memref<2x16x128xf32, #tpu.memory_space<vmem>>, vector<1x16x128xf32>
    %swap3A_31 = vector.shape_cast %swap3A_30 : vector<1x16x128xf32> to vector<16x128xf32>
    %swap3A_32 = vector.shape_cast %div3A_27 : vector<16x128xf32> to vector<1x16x128xf32>
    tpu.vector_store %arg4[%swap3A, %swap3A_28, %swap3A_29], %swap3A_32 {strides = array<i32>} : memref<2x16x128xf32, #tpu.memory_space<vmem>>, vector<1x16x128xf32>,
    %get3A_33 = arith.constant 1 : index
    %get3A_34 = arith.constant 0 : index
    %get3A_35 = arith.constant 0 : index
    %get3A_36 = vector.load %arg1[%get3A_33, %get3A_34, %get3A_35] : memref<2x16x192xf32, #tpu.memory_space<vmem>>, vector<1x16x192xf32>
    %get3A_37 = vector.shape_cast %get3A_36 : vector<1x16x192xf32> to vector<16x192xf32>
    %get3A_38 = arith.constant 1 : index
    %get3A_39 = arith.constant 0 : index
    %get3A_40 = arith.constant 0 : index
    %get3A_41 = vector.load %arg2[%get3A_38, %get3A_39, %get3A_40] : memref<2x192x8192xf32, #tpu.memory_space<vmem>>, vector<1x192x8192xf32>
    %get3A_42 = vector.shape_cast %get3A_41 : vector<1x192x8192xf32> to vector<192x8192xf32>
    %get3A_43 = arith.constant 1 : index
    %get3A_44 = arith.constant 0 : index
    %get3A_45 = arith.constant 0 : index
    %get3A_46 = vector.load %arg3[%get3A_43, %get3A_44, %get3A_45] : memref<2x1x8192xf32, #tpu.memory_space<vmem>>, vector<1x1x8192xf32>
    %get3A_47 = vector.shape_cast %get3A_46 : vector<1x1x8192xf32> to vector<1x8192xf32>
    %dot_general3A_48 = arith.constant dense<0.000000e+00> : vector<16x8192xf32>
    %dot_general3A_49 = tpu.matmul %get3A_37, %get3A_42, %dot_general3A_48 {dimension_numbers = #tpu.dot_dimension_numbers<[1], [0], [0], [1], [0, 0, 1, 1], [], []>, transpose_lhs_hint = false} : vector<16x192xf32>, vector<192x8192xf32>, vector<16x8192xf32> -> vector<16x8192xf32>
    %mul3A_50 = arith.constant 0.0721687824 : f32
    %mul3A_51 = vector.broadcast %mul3A_50 : f32 to vector<16x8192xf32>
    %mul3A_52 = arith.mulf %dot_general3A_49, %mul3A_51 : vector<16x8192xf32>
    %gt3A_53 = arith.constant 0.000000e+00 : f32
    %gt3A_54 = vector.broadcast %gt3A_53 : f32 to vector<1x8192xf32>
    %gt3A_55 = arith.cmpf ogt, %get3A_47, %gt3A_54 : vector<1x8192xf32>
    %log3A_56 = math.log %get3A_47 : vector<1x8192xf32>
    %jit3A_57 = arith.constant 0xFF800000 : f32
    %broadcast_in_dim3A_58 = vector.broadcast %jit3A_57 : f32 to vector<1x8192xf32>
    %select_n3A_59 = arith.select %gt3A_55, %log3A_56, %broadcast_in_dim3A_58 : vector<1x8192xi1>, vector<1x8192xf32>
    %add3A_60 = vector.broadcast %select_n3A_59 : vector<1x8192xf32> to vector<16x8192xf32>
    %add3A_61 = arith.addf %mul3A_52, %add3A_60 : vector<16x8192xf32>
    %reduce_max3A_62 = arith.constant dense<0xFF800000> : vector<16xf32>
    %reduce_max3A_63 = vector.multi_reduction <maximumf>, %add3A_61, %reduce_max3A_62 [1] : vector<16x8192xf32> to vector<16xf32>
    %broadcast_in_dim3A_64 = vector.shape_cast %reduce_max3A_63 : vector<16xf32> to vector<16x1xf32>
    %sub3A_65 = vector.broadcast %broadcast_in_dim3A_64 : vector<16x1xf32> to vector<16x8192xf32>
    %sub3A_66 = arith.subf %add3A_61, %sub3A_65 : vector<16x8192xf32>
    %exp3A_67 = math.exp %sub3A_66 : vector<16x8192xf32>
    %reduce_sum3A_68 = arith.constant dense<0.000000e+00> : vector<16xf32>
    %reduce_sum3A_69 = vector.multi_reduction <add>, %exp3A_67, %reduce_sum3A_68 [1] : vector<16x8192xf32> to vector<16xf32>
    %broadcast_in_dim3A_70 = vector.shape_cast %reduce_sum3A_69 : vector<16xf32> to vector<16x1xf32>
    %slice3A_71 = vector.extract_strided_slice %get3A_42 {offsets = [0, 0], sizes = [128, 8192], strides = [1, 1]} : vector<192x8192xf32> to vector<128x8192xf32>
    %dot_general3A_72 = arith.constant dense<0.000000e+00> : vector<16x128xf32>
    %dot_general3A_73 = tpu.matmul %exp3A_67, %slice3A_71, %dot_general3A_72 {dimension_numbers = #tpu.dot_dimension_numbers<[1], [1], [0], [0], [0, 0, 1, 0], [], []>, transpose_lhs_hint = false} : vector<16x8192xf32>, vector<128x8192xf32>, vector<16x128xf32> -> vector<16x128xf32>
    %div3A_74 = vector.broadcast %broadcast_in_dim3A_70 : vector<16x1xf32> to vector<16x128xf32>
    %div3A_75 = arith.divf %dot_general3A_73, %div3A_74 : vector<16x128xf32>
    %swap3A_76 = arith.constant 1 : index
    %swap3A_77 = arith.constant 0 : index
    %swap3A_78 = arith.constant 0 : index
    %swap3A_79 = vector.load %arg4[%swap3A_76, %swap3A_77, %swap3A_78] : memref<2x16x128xf32, #tpu.memory_space<vmem>>, vector<1x16x128xf32>
    %swap3A_80 = vector.shape_cast %swap3A_79 : vector<1x16x128xf32> to vector<16x128xf32>
    %swap3A_81 = vector.shape_cast %div3A_75 : vector<16x128xf32> to vector<1x16x128xf32>
    tpu.vector_store %arg4[%swap3A_76, %swap3A_77, %swap3A_78], %swap3A_81 {strides = array<i32>} : memref<2x16x128xf32, #tpu.memory_space<vmem>>, vector<1x16x128xf32>,
    return
  }
  func.func @transform_0(%arg0: i32) -> (i32, i32, i32) {
    %c0_i32 = arith.constant 0 : i32
    %c0_i32_0 = arith.constant 0 : i32
    %c0_i32_1 = arith.constant 0 : i32
    return %arg0, %c0_i32, %c0_i32_0 : i32, i32, i32
  }
  func.func @transform_1(%arg0: i32) -> (i32, i32, i32) {
    %c0_i32 = arith.constant 0 : i32
    %c0_i32_0 = arith.constant 0 : i32
    %c0_i32_1 = arith.constant 0 : i32
    return %arg0, %c0_i32, %c0_i32_0 : i32, i32, i32
  }
  func.func @transform_2(%arg0: i32) -> (i32, i32, i32) {
    %c0_i32 = arith.constant 0 : i32
    %c0_i32_0 = arith.constant 0 : i32
    %c0_i32_1 = arith.constant 0 : i32
    return %arg0, %c0_i32, %c0_i32_0 : i32, i32, i32
  }
  func.func @transform_3(%arg0: i32) -> (i32, i32, i32) {
    %c0_i32 = arith.constant 0 : i32
    %c0_i32_0 = arith.constant 0 : i32
    %c0_i32_1 = arith.constant 0 : i32
    return %arg0, %c0_i32, %c0_i32_0 : i32, i32, i32
  }
}

</mosaic_0001>

<sc_bundles>
// kernel: kernel.4.cloned.1.call-start
scs
__scs_entry_jumppad:
0x0: {  	(pc) =	sbr.rel $0x88, $3  }
0x1: {  	(tag) =	ssettag $0x0;
	lr =	simm.s32 $0x1  }
0x2: {  	[smem:$0x3F9E] =	sst lr;
	_ =	strace $0xD0000000  }
0x3: {  	_ = 	snop  }
0x4: {  	_ = 	snop  }
0x5: {  	_ = 	snop  }
0x6: {  	_ = 	snop  }
0x7: {  	_ = 	snop  }
__scs_overlays_trampoline_lowered:
0x8: {  	[smem:$0x3FAD] =	sst s0  }
0x9: {  	[smem:$0x3FAE] =	sst s1  }
0xa: {  	[smem:$0x3FAF] =	sst s2  }
0xb: {  	[smem:$0x3FB0] =	sst s3  }
0xc: {  	[smem:$0x3FB1] =	sst s4  }
0xd: {  	[smem:$0x3FB2] =	sst s5  }
0xe: {  	[smem:$0x3FB3] =	sst s6  }
0xf: {  	[smem:$0x3FB4] =	sst s7  }
0x10: {  	[smem:$0x3FB5] =	sst s8  }
0x11: {  	[smem:$0x3FB6] =	sst s9;
	s0 =	simm.s32 @!p0 $0x0  }
0x12: {  	s1 =	sld [smem:$0x3F9C];
	s0 =	simm.s32 @p0 $0x1  }
0x13: {  	[smem:$0x3FB7] =	sst s0;
	s0 =	simm.s32 @!p1 $0x0  }
0x14: {  	s2 =	sld [smem:$0x3F9B];
	s0 =	simm.s32 @p1 $0x1  }
0x15: {  	[smem:$0x3FB8] =	sst s0;
	s0 =	simm.s32 @!p2 $0x0  }
0x16: {  	s3 =	sld [smem:$0x3FDB];
	s0 =	simm.s32 @p2 $0x1  }
0x17: {  	s4 =	simm.s32 $0x1BF5;
	[smem:$0x3FBA] =	sst s0  }
0x18: {  	s0 =	sld [smem:$0x3F9D];
	_ =	swait.ge [sflag:s4], $0x0  }
0x19: {  	s7 =	sld [smem:$0x3F9E]  }
0x1a: {  	s8 =	sadd.s32 $0xFFFFE003, lr  }
0x1b: {  	s9 =	sadd.s32 $0xFFFFFEF7, lr;
	s5 =	simm.s32 $0xFFFFFFFF;
	p2 =	slt.u32 s8, $0xFFFFF086  }
0x1c: {  	p1 =	slt.u32 s9, $0xF7A;
	s5 =	simm.s32 @!p2 $0x0  }
0x1d: {  	s5 =	simm.s32 @p1 $0x1;
	p0 =	seq.s32 s7, s2  }
0x1e: {  	s7 =	smul.u32 @!p0 $0xF7A, s2;
	p2 =	seq.s32 @!p0 s5, $0x0  }
0x1f: {  	s9 =	smul.u32 $0xF7A, s1;
	s8 =	simm.s32 @!p0 $0x1BF5;
	p2 =	por !p2, p0  }
0x20: {  	[sflag:s8] =	ssyncset.s32 @!p0 $0xFFFFF086;
	s6 =	sadd.s32 @!p0 s3, s7;
	s7 =	simm.s32 @!p0 $0x108  }
0x21: {  	s3 =	sadd.s32 s3, s9;
	s6 =	sadd.s32 @!p0 $0x88, s6;
	s7 =	simm.s32 @p2 $0x1082  }
0x22: {  	[simem:s7], [sflag:s8] =	dma.local @!p0 [hbm:s6], $0xF7A  }
0x23: {  	s9 =	sor.u32 $0xD0000000, s2;
	s6 =	simm.s32 $0x108;
	_ =	swait.ge @!p0 [sflag:s8], $0x0  }
0x24: {  	s3 =	sadd.s32 $0x88, s3;
	s6 =	simm.s32 @!p1 $0x1082;
	[sflag:s4] =	ssyncset.s32 $0xFFFFF086  }
0x25: {  	[simem:s6], [sflag:s4] =	dma.local [hbm:s3], $0xF7A  }
0x26: {  	[smem:$0x3F9E] =	sst s1;
	(tag) =	ssettag s2;
	_ =	strace s9  }
0x27: {  	s1 =	sld [smem:$0x3FAE]  }
0x28: {  	s2 =	sld [smem:$0x3FAF]  }
0x29: {  	s4 =	sld [smem:$0x3FB1]  }
0x2a: {  	p0 =	seq.s32 s5, $0x0;
	s5 =	sld [smem:$0x3FB2]  }
0x2b: {  	s6 =	sld [smem:$0x3FB3]  }
0x2c: {  	s7 =	sld [smem:$0x3FB4]  }
0x2d: {  	s3 =	simm.s32 $0x108;
	s8 =	sld [smem:$0x3FB5]  }
0x2e: {  	s3 =	simm.s32 @!p0 $0x1082;
	s9 =	sld [smem:$0x3FB6]  }
0x2f: {  	lr =	sadd.s32 s0, s3;
	s0 =	sld [smem:$0x3FAD]  }
0x30: {  	s3 =	sld [smem:$0x3FB0]  }
0x31: {  	[smem:$0x3FB9] =	sst s10  }
0x32: {  	s10 =	sld [smem:$0x3FB7];
	_ =	sdelay $0x3  }
0x33: {  	p0 =	seq.s32 s10, $0x1;
	s10 =	sld [smem:$0x3FB9];
	_ =	sdelay $0x3  }
0x34: {  	[smem:$0x3FB9] =	sst s10  }
0x35: {  	s10 =	sld [smem:$0x3FB8];
	_ =	sdelay $0x3  }
0x36: {  	p1 =	seq.s32 s10, $0x1;
	s10 =	sld [smem:$0x3FB9];
	_ =	sdelay $0x3  }
0x37: {  	[smem:$0x3FB9] =	sst s10  }
0x38: {  	s10 =	sld [smem:$0x3FBA]  }
0x39: {  	_ = 	snop;
	(pc) =	sbr.ind lr, $3  }
0x3a: {  	_ = 	snop  }
0x3b: {  	_ = 	snop  }
0x3c: {  	p2 =	seq.s32 s10, $0x1;
	s10 =	sld [smem:$0x3FB9]  }
0x3d: {  	_ =	shalt  }
0x3e: {  	_ =	shalt  }
0x3f: {  	_ =	shalt  }
0x40: {  	_ =	shalt  }
0x41: {  	_ =	shalt  }
0x42: {  	_ =	shalt  }
0x43: {  	_ =	shalt  }
0x44: {  	_ =	shalt  }
0x45: {  	_ =	shalt  }
0x46: {  	_ =	shalt  }
0x47: {  	_ =	shalt  }
0x48: {  	_ =	shalt  }
0x49: {  	_ =	shalt  }
0x4a: {  	_ =	shalt  }
0x4b: {  	_ =	shalt  }
0x4c: {  	_ =	shalt  }
0x4d: {  	_ =	shalt  }
0x4e: {  	_ =	shalt  }
0x4f: {  	_ =	shalt  }
0x50: {  	_ =	shalt  }
0x51: {  	_ =	shalt  }
0x52: {  	_ =	shalt  }
0x53: {  	_ =	shalt  }
0x54: {  	_ =	shalt  }
0x55: {  	_ =	shalt  }
0x56: {  	_ =	shalt  }
0x57: {  	_ =	shalt  }
0x58: {  	_ =	shalt  }
0x59: {  	_ =	shalt  }
0x5a: {  	_ =	shalt  }
0x5b: {  	_ =	shalt  }
0x5c: {  	_ =	shalt  }
0x5d: {  	_ =	shalt  }
0x5e: {  	_ =	shalt  }
0x5f: {  	_ =	shalt  }
0x60: {  	_ =	shalt  }
0x61: {  	_ =	shalt  }
0x62: {  	_ =	shalt  }
0x63: {  	_ =	shalt  }
0x64: {  	_ =	shalt  }
0x65: {  	_ =	shalt  }
0x66: {  	_ =	shalt  }
0x67: {  	_ =	shalt  }
0x68: {  	_ =	shalt  }
0x69: {  	_ =	shalt  }
0x6a: {  	_ =	shalt  }
0x6b: {  	_ =	shalt  }
0x6c: {  	_ =	shalt  }
0x6d: {  	_ =	shalt  }
0x6e: {  	_ =	shalt  }
0x6f: {  	_ =	shalt  }
0x70: {  	_ =	shalt  }
0x71: {  	_ =	shalt  }
0x72: {  	_ =	shalt  }
0x73: {  	_ =	shalt  }
0x74: {  	_ =	shalt  }
0x75: {  	_ =	shalt  }
0x76: {  	_ =	shalt  }
0x77: {  	_ =	shalt  }
0x78: {  	_ =	shalt  }
0x79: {  	_ =	shalt  }
0x7a: {  	_ =	shalt  }
0x7b: {  	_ =	shalt  }
0x7c: {  	_ =	shalt  }
0x7d: {  	_ =	shalt  }
0x7e: {  	_ =	shalt  }
0x7f: {  	_ =	shalt  }
0x80: {  	_ =	shalt  }
0x81: {  	_ =	shalt  }
0x82: {  	_ =	shalt  }
0x83: {  	_ =	shalt  }
0x84: {  	_ =	shalt  }
0x85: {  	_ =	shalt  }
0x86: {  	_ =	shalt  }
0x87: {  	_ =	shalt  }
.Lfunc_end0:
.L_simem_size_0:
called_computation_lowered:
.L_overlay_start_0:
0x88: {  	s2 =	sld [smem:$0x3FD9]  }
0x89: {  	s3 =	sld [smem:$0x3FFE];
	_ =	sdelay $0x1  }
0x8a: {  	s1 =	srdreg.scid  }
0x8b: {  	s0 =	sand.u32 $0x1, s1  }
0x8c: {  	s17 =	sshll.u32 s0, $0xA;
	s2 =	sadd.s32 s3, s2  }
0x8d: {  	s2 =	sadd.s32 s2, s17  }
0x8e: {  	[smem:$0x3FC5] =	sst s2  }
0x8f: {  	_ = 	snop  }
0x90: {  	s2 =	sld [smem:$0x3FC7];
	(tm) =	ssettm $0x1  }
0x91: {  	s18 =	sld [smem:$0x3FFB];
	_ =	sdelay $0x3  }
0x92: {  	_ =	strace s18  }
0x93: {  	s3 =	sld [smem:$0x3FFC];
	_ =	sdelay $0x3  }
0x94: {  	_ =	strace s3  }
0x95: {  	s3 =	sld [smem:$0x3FFD];
	_ =	sdelay $0x3  }
0x96: {  	_ =	strace s3  }
0x97: {  	_ =	strace $0x8FFFFFFF  }
0x98: {  	s19 =	sld [smem:$0x3FDB];
	_ =	sdelay $0x1  }
0x99: {  	s4 =	simm.s32 $_scs_section_size  }
0x9a: {  	s5 =	simm.s32 $_size__tile_overlayer_lowered;
	s6 =	simm.s32 $_tile_overlayer_lowered  }
0x9b: {  	s22 =	simm.s32 $0x1BFF;
	s21 =	sshll.u32 s6, $0x1;
	s3 =	sadd.s32 s4, s19  }
0x9c: {  	s7 =	simm.s32 $0x0;
	s20 =	sshll.u32 s5, $0x1;
	s5 =	sadd.s32 s21, s3  }
0x9d: {  	[timem:s7], [sflag:s22] =	dma.local [hbm:s5], s20  }
0x9e: {  	_ =	swait.ge [sflag:s22], s20  }
0x9f: {  	s4 =	ssub.s32 $0x0, s20;
	[sflag:s22] =	ssyncset.done $0x0  }
0xa0: {  	[sflag:s22] =	ssyncadd.s32 s4;
	_ =	sdelay $0x1  }
0xa1: {  	s23 =	simm.s32 $0x1B8B  }
0xa2: {  	_ =	swait.ge [sflag:s23], $0x1  }
0xa3: {  	[sflag:s23] =	ssyncset.done $0x0  }
0xa4: {  	s25 =	simm.s32 $0x1B8E;
	s24 =	sld [smem:$0x3FFE];
	[sflag:s23] =	ssyncadd.s32 $0xFFFFFFFF  }
0xa5: {  	s26 =	simm.s32 $execute0_lowered;
	[smem:$0x3FD2] =	sst s25  }
0xa6: {  	s5 =	sshll.u32 s26, $0x1;
	_ =	strace $0x80000046;
	[dreg:$0x1] =	wrdreg $0xFFFFFFFF  }
0xa7: {  	s28 =	simm.s32 $_size_execute0_lowered;
	s3 =	sadd.s32 s3, s5;
	[dreg:$0x0] =	wrdreg $0x0  }
0xa8: {  	s5 =	sshll.u32 s28, $0x1;
	[dreg:$0x2] =	wrdreg s3  }
0xa9: {  	[dreg:$0x3] =	wrdreg s5  }
0xaa: {  	[dreg:$0x4] =	wrdreg $0xC0  }
0xab: {  	_ =	task [dreg:s7], $0x5FFFF  }
0xac: {  	[dreg:$0x1] =	wrdreg $0xFFFFFFFF  }
0xad: {  	[dreg:$0x0] =	wrdreg $0x60  }
0xae: {  	[dreg:$0x2] =	wrdreg s2  }
0xaf: {  	[dreg:$0x3] =	wrdreg s24  }
0xb0: {  	[dreg:$0x4] =	wrdreg $0x9  }
0xb1: {  	_ =	task.clear_ibuf [dreg:s7], $0x5FFFF;
	_ =	strace $0x90000046  }
0xb2: {  	s29 =	simm.s32 $0x9;
	_ =	strace $0x80000048  }
0xb3: {  	_ =	swait.ge [sflag:s29], $0x1  }
0xb4: {  	[sflag:s29] =	ssyncadd.s32 $0xFFFFFFFF  }
0xb5: {  	_ =	strace $0x90000048  }
0xb6: {  	_ =	sfence  }
0xb7: {  	s30 =	sld [smem:$0x0];
	_ =	sdelay $0x2  }
0xb8: {  	s31 =	sshll.u32 s1, $0xD;
	s1 =	sshrl.u32 s1, $0x2  }
0xb9: {  	s3 =	sand.u32 $0x4000, s31;
	s1 =	sadd.s32 s1, s30  }
0xba: {  	s0 =	sor.u32 s3, s0;
	s1 =	sshll.u32 s1, $0x11  }
0xbb: {  	s0 =	sor.u32 s1, s0  }
0xbc: {  	s0 =	sadd.s32 $0x8F2B, s0  }
0xbd: {  	[sflag:s0] =	ssyncadd.remote.s32 $0x1  }
0xbe: {  	_ =	sfence.sel $0xFFFF  }
0xbf: {  	[dreg:$0x0] =	wrdreg $0xFFFFFFFF;
	(pc) =	sbr.abs _section_cstart, $3  }
0xc0: {  	[dreg:$0x1] =	wrdreg $0xFFFFFFFF  }
0xc1: {  	_ =	task.clear_ibuf [dreg:s7], $0x2FFFF;
	_ =	strace $0x9FFFFFFF  }
0xc2: {  	(tm) =	ssettm $0x7FFFFFFF  }
0xc3: {  	_ =	shalt  }
tec
execute0_lowered:
.L_overlay_start_1:
0x0: {  	(tag) =	ssettag $0x1  }
0x1: {  	s3 =	rddreg [dreg:$0x0]  }
0x2: {  	s4 =	rddreg [dreg:$0x1]  }
0x3: {  	s0 =	rddreg [dreg:$0x2]  }
0x4: {  	s5 =	srdreg.scid;
	s1 =	stileid.u32  }
0x5: {  	s2 =	simm.s32 $0x0;
	s5 =	sand.u32 $0x1, s5;
	s6 =	sshll.u32 s1, $0x1  }
0x6: {  	[smem:$0x7FF] =	sst s2;
	s6 =	sor.u32 s5, s6;
	s5 =	ssub.s32 $0x2, s5  }
0x7: {  	_ =	strace $0x80000047;
	s7 =	sshll.u32 s6, $0xA;
	s8 =	sshrl.u32 s5, $0x1  }
0x8: {  	s6 =	sshll.u32 s6, $0x7;
	s4 =	sadd.s32 s7, s4;
	s5 =	ssub.s32 s5, s8  }
0x9: {  	s3 =	sadd.s32 s3, s6;
	s6 =	simm.s32 $0x1;
	s7 =	simm.s32 $0x400  }
0xa: {  	v0 =	vimm.f32 $0.0e+00;
	v1 =	vimm.f32 $1.000000000e+00;
	s8 =	simm.s32 $0x0;
	s4 =	sadd.s32 $0x400, s4;
	s5 =	smax.u32 s5, $0x1  }
.LBB2_1:
0xb: {  	[tilespmem:s2], [sflag:$0x1] =	stream.linear.gather [hbm4b:s3+s2], $0x400, $0x38;
	[tilespmem:$0x2400] =	vst v63  }
0xc: {  	_ =	swait.ge [sflag:s6], $0x400  }
0xd: {  	[sflag:s6] =	ssyncset.done $0x0  }
0xe: {  	s9 =	simm.s32 $0x0;
	s10 =	simm.s32 $0x200;
	[sflag:s6] =	ssyncadd.s32 $0xFFFFFC00  }
.LBB2_2:
0xf: {  	p0 =	sne.s32 s10, $0x7E00;
	[tilespmem:s9+$0x470] =	vst v0  }
0x10: {  	[tilespmem:s9+$0x400] =	vst v0  }
0x11: {  	[tilespmem:s9+$0x410] =	vst v0  }
.Ltmp0:
0x12: {  	[tilespmem:s9+$0x420] =	vst v0;
	(pc) =	sbr.rel @p0 .LBB2_2-.Ltmp0, $4  }
0x13: {  	[tilespmem:s9+$0x430] =	vst v0  }
0x14: {  	[tilespmem:s9+$0x440] =	vst v0  }
0x15: {  	[tilespmem:s9+$0x450] =	vst v0  }
0x16: {  	[tilespmem:s9+$0x460] =	vst v0;
	s9 =	sshra.s32 s10, $0x2;
	s10 =	sadd.s32 $0x200, s10  }
0x17: {  	[tilespmem:s9+$0x470] =	vst v0  }
0x18: {  	[tilespmem:s9+$0x400] =	vst v0  }
0x19: {  	[tilespmem:s9+$0x410] =	vst v0  }
0x1a: {  	[tilespmem:s9+$0x420] =	vst v0  }
0x1b: {  	[tilespmem:s9+$0x430] =	vst v0  }
0x1c: {  	[tilespmem:s9+$0x440] =	vst v0  }
0x1d: {  	[tilespmem:s9+$0x450] =	vst v0  }
0x1e: {  	[tilespmem:s9+$0x460] =	vst v0;
	s9 =	simm.s32 $0x0  }
.LBB2_4:
0x1f: {  	s10 =	sshra.s32 s9, $0x2  }
0x20: {  	v2 =	vld [tilespmem:s10+$0x0];
	_ =	sdelay $0x7  }
0x21: {  	[tilespmem:v2+s7+$0x0] =	vst.idx.add.f32.msk $0xffff, v1  }
0x22: {  	v2 =	vld [tilespmem:s10+$0x10];
	_ =	sdelay $0x7  }
0x23: {  	[tilespmem:v2+s7+$0x0] =	vst.idx.add.f32.msk $0xffff, v1  }
0x24: {  	v2 =	vld [tilespmem:s10+$0x20];
	_ =	sdelay $0x7  }
0x25: {  	[tilespmem:v2+s7+$0x0] =	vst.idx.add.f32.msk $0xffff, v1  }
0x26: {  	v2 =	vld [tilespmem:s10+$0x30];
	_ =	sdelay $0x2  }
0x27: {  	p0 =	sne.s32 s9, $0xF00  }
.Ltmp1:
0x28: {  	_ = 	snop;
	(pc) =	sbr.rel @p0 .LBB2_4-.Ltmp1, $2  }
0x29: {  	_ =	sdelay $0x2  }
0x2a: {  	s9 =	sadd.s32 $0x100, s9;
	[tilespmem:v2+s7+$0x0] =	vst.idx.add.f32.msk $0xffff, v1  }
0x2b: {  	s8 =	sadd.s32 $0x1, s8  }
0x2c: {  	p0 =	sne.s32 s8, s5  }
.Ltmp2:
0x2d: {  	_ = 	snop;
	(pc) =	sbr.rel @p0 .LBB2_1-.Ltmp2, $4  }
0x2e: {  	[hbm4b:s4+s2] =	stream.linear.scatter [tilespmem:s7], [sflag:$0x1], $0x2000, $0x38;
	[tilespmem:$0x2400] =	vst v63  }
0x2f: {  	_ =	swait.ge [sflag:s6], $0x2000  }
0x30: {  	[sflag:s6] =	ssyncset.done $0x0  }
0x31: {  	[sflag:s6] =	ssyncadd.s32 $0xFFFFE000  }
0x32: {  	_ =	sfence.sel $0x180000  }
0x33: {  	[bflag:$0x0] =	sbarrier.arrive $0xFFFF  }
0x34: {  	p0 =	sne.s32 s1, $0x0;
	_ =	strace $0x90000047  }
0x35: {  	s0 =	sadd.s32 @!p0 $0x100000, s0;
	[bflag:$0x2] =	sbarrier.arrive $0xFFFF  }
0x36: {  	[sflag:s0] =	ssyncadd.tile.s32 @!p0 $0x1;
	_ =	shalt  }
.Lfunc_end2:
_tile_overlayer_lowered:
.L_overlay_start_2:
0x37: {  	(tag) =	ssettag $0x2  }
0x38: {  	s0 =	rddreg [dreg:$0x0];
	s2 =	stileid.u32  }
0x39: {  	s1 =	rddreg [dreg:$0x1];
	p0 =	sne.s32 s2, $0x0  }
0x3a: {  	s3 =	rddreg [dreg:$0x2];
	[bflag:$0x3] =	sbarrier.arrive $0xFFFF;
	s2 =	simm.s32 @!p0 $0x1C01  }
0x3b: {  	[timem:s3], [sflag:s2] =	dma.local @!p0 [hbm:s0], s1  }
0x3c: {  	s0 =	simm.s32 @!p0 $0x1  }
0x3d: {  	_ =	swait.ge @!p0 [sflag:s0], s1  }
0x3e: {  	s1 =	ssub.s32 @!p0 $0x0, s1;
	[sflag:s0] =	ssyncset.done @!p0 $0x0  }
0x3f: {  	[sflag:s0] =	ssyncadd.s32 @!p0 s1  }
0x40: {  	[bflag:$0x3] =	sbarrier.arrive $0xFFFF  }
0x41: {  	_ =	shalt  }

</sc_bundles>
